<compile_context>
chip_gen: v7x
topology: tpu7x:2x2x1
jax: 0.10.2.dev20260603
libtpu: 0.0.44.dev20260713+nightly
codegen_flags: <defaults>
</compile_context>

<pallas_src>
import functools

import jax
import jax.numpy as jnp
from jax import lax
from jax.experimental import pallas as pl
from jax.experimental.pallas import tpu as pltpu
from jax.experimental.pallas import tpu_sc as plsc

E = 64
N_TOKENS = 262144
NUM_TILES = 16
CHUNK = N_TOKENS // NUM_TILES
LANES = 16
N_EVEC = E // LANES
GROUP = NUM_TILES * LANES


def _body(idx_hbm, group_hbm, out_hbm, chunk, partial, shared, accv, gv, outv,
          sem, psem):
    s = lax.axis_index("s")

    h = pltpu.async_copy(idx_hbm.at[pl.ds(s * CHUNK, CHUNK)], chunk, sem)

    @pl.when(s < N_EVEC)
    def _():
        pltpu.sync_copy(group_hbm, gv)

    h.wait()

    lane = lax.iota(jnp.int32, LANES)
    e_vecs = [lane + jnp.int32(j * LANES) for j in range(N_EVEC)]
    zero = jnp.zeros((LANES,), jnp.int32)

    def _step(_, carry):
        step, ps = carry[0], list(carry[1:])
        off = step - jnp.int32(1)
        for j in range(N_EVEC):
            val = plsc.load_gather(chunk, [ps[j] + off])
            ps[j] = jnp.where(val <= e_vecs[j], ps[j] + step, ps[j])
        return (jnp.maximum(step // jnp.int32(2), jnp.int32(1)), *ps)

    carry = lax.fori_loop(
        0, CHUNK.bit_length(), _step,
        (jnp.int32(CHUNK // 2), zero, zero, zero, zero),
    )
    for j in range(N_EVEC):
        partial[pl.ds(j * LANES, LANES)] = carry[1 + j]
    pltpu.async_copy(partial, shared.at[pl.ds(s * E, E)], psem).wait()
    plsc.subcore_barrier()

    @pl.when(s < N_EVEC)
    def _():
        pltpu.sync_copy(shared, accv)
        acc0 = plsc.load_gather(gv, [lane + s * LANES])

        def _acc(r, a):
            return a + plsc.load_gather(accv, [lane + (r * E + s * LANES)])

        outv[...] = lax.fori_loop(0, NUM_TILES, _acc, acc0)
        pltpu.sync_copy(outv, out_hbm.at[pl.ds(s * LANES, LANES)])


@jax.jit
def _collect(indices_expert, expert_group_list):
    mesh = plsc.VectorSubcoreMesh(
        core_axis_name="c", subcore_axis_name="s", num_cores=1
    )
    k = functools.partial(
        pl.kernel,
        mesh=mesh,
        out_type=jax.ShapeDtypeStruct((E,), jnp.int32),
        scratch_types=[
            pltpu.VMEM((CHUNK,), jnp.int32),
            pltpu.VMEM((E,), jnp.int32),
            pltpu.VMEM_SHARED((NUM_TILES * E,), jnp.int32),
            pltpu.VMEM((NUM_TILES * E,), jnp.int32),
            pltpu.VMEM((E,), jnp.int32),
            pltpu.VMEM((LANES,), jnp.int32),
            pltpu.SemaphoreType.DMA,
            pltpu.SemaphoreType.DMA,
        ],
        compiler_params=pltpu.CompilerParams(needs_layout_passes=False),
    )(_body)
    return k(indices_expert, expert_group_list)


def kernel(indices_expert, expert_group_list):
    out = _collect(
        indices_expert.astype(jnp.int32), expert_group_list.astype(jnp.int32)
    )
    return out.astype(expert_group_list.dtype)

# --- scband reference (transcript-rebuilt; emitter-appended) ---
"""Pipeline reference for scband-expert-load-collector-54528904790844 (READ-ONLY COPY).

The authoritative reference and input builder live on the scoring server;
editing this copy changes nothing except your own understanding.
"""

import jax, jax.numpy as jnp
import numpy as np

E = 64
N_TOKENS = 262144

def setup_inputs(seed: int = 0) -> dict:
    key = jax.random.key(seed)
    k1, _ = jax.random.split(key)
    indices_expert = jnp.sort(jax.random.randint(k1, (N_TOKENS,), 0, E, dtype=jnp.int64) if jax.config.jax_enable_x64 else jax.random.randint(k1, (N_TOKENS,), 0, E, dtype=jnp.int32))
    expert_group_list = jnp.zeros((E,), dtype=indices_expert.dtype)
    return {"indices_expert": indices_expert, "expert_group_list": expert_group_list}

def reference(indices_expert, expert_group_list):
    # torch_npu.npu_moe_compute_expert_tokens(sorted_expert_indices, E) returns,
    # for each expert e in [0, E), the cumulative number of tokens whose routed
    # expert id is <= e (i.e. cumsum of the per-expert histogram of the sorted ids).
    counts = jnp.zeros((E,), dtype=indices_expert.dtype).at[indices_expert].add(1)  # scatter-add histogram
    expanded_buffer = jnp.cumsum(counts)
    # expert_group_list.add_(expanded_buffer)
    new_group_list = expert_group_list + expanded_buffer
    return new_group_list

if __name__ == "__main__":
    import jax
    _d = setup_inputs()
    print(jax.jit(kernel)(*tuple(_d.values())))

</pallas_src>

<mosaic_0001>
#map = affine_map<(d0, d1) -> (0)>
module attributes {stable_mosaic.version = 14 : i64} {
  func.func @_body(%arg0: i32, %arg1: i32, %arg2: memref<262144xi32, #tpu.memory_space<hbm>>, %arg3: memref<64xi32, #tpu.memory_space<hbm>>, %arg4: memref<64xi32, #tpu.memory_space<hbm>>, %arg5: memref<16384xi32, #tpu.memory_space<vmem>>, %arg6: memref<64xi32, #tpu.memory_space<vmem>>, %arg7: memref<1024xi32, #tpu.memory_space<vmem_shared>>, %arg8: memref<1024xi32, #tpu.memory_space<vmem>>, %arg9: memref<64xi32, #tpu.memory_space<vmem>>, %arg10: memref<16xi32, #tpu.memory_space<vmem>>, %arg11: memref<!tpu.dma_semaphore, #tpu.memory_space<semaphore_mem>>, %arg12: memref<!tpu.dma_semaphore, #tpu.memory_space<semaphore_mem>>) attributes {dimension_semantics = [#tpu.dimension_semantics<core_parallel>, #tpu.dimension_semantics<subcore_parallel>], iteration_bounds = array<i64: 1, 16>, scalar_prefetch = 0 : i64, scratch_operands = 8 : i64, tpu.core_type = #tpu.core_type<sc_vector_subcore>, window_params = [{transform_indices = #map}, {transform_indices = #map}, {transform_indices = #map}]} {
    %mul3A = arith.constant 16384 : i32
    %mul3A_0 = arith.muli %arg1, %mul3A : i32
    %dma_start3A = tpu.memref_slice %arg2[%mul3A_0] : memref<262144xi32, #tpu.memory_space<hbm>> -> memref<16384xi32, #tpu.memory_space<hbm>>
    %dma_start3A_1 = tpu.memref_slice %arg2[%mul3A_0] : memref<262144xi32, #tpu.memory_space<hbm>> -> memref<16384xi32, #tpu.memory_space<hbm>>
    tpu.enqueue_dma source(%dma_start3A_1 : memref<16384xi32, #tpu.memory_space<hbm>>) target(%arg5 : memref<16384xi32, #tpu.memory_space<vmem>>) target_semaphore(%arg11 : memref<!tpu.dma_semaphore, #tpu.memory_space<semaphore_mem>>)
    %lt3A = arith.constant 4 : i32
    %lt3A_2 = arith.cmpi slt, %arg1, %lt3A : i32
    %convert_element_type3A = arith.extui %lt3A_2 : i1 to i32
    %cond3A = arith.constant 0 : i32
    %cond3A_3 = arith.cmpi ne, %convert_element_type3A, %cond3A : i32
    scf.if %cond3A_3 {
      "tpu.region"() ({
        %run_scoped3A = tpu.sem_alloc : memref<!tpu.dma_semaphore, #tpu.memory_space<semaphore_mem>>
        tpu.enqueue_dma source(%arg3 : memref<64xi32, #tpu.memory_space<hbm>>) target(%arg9 : memref<64xi32, #tpu.memory_space<vmem>>) target_semaphore(%run_scoped3A : memref<!tpu.dma_semaphore, #tpu.memory_space<semaphore_mem>>)
        tpu.wait_dma2 semaphore(%run_scoped3A : memref<!tpu.dma_semaphore, #tpu.memory_space<semaphore_mem>>) src(%arg3 : memref<64xi32, #tpu.memory_space<hbm>>) dst(%arg9 : memref<64xi32, #tpu.memory_space<vmem>>)
        tpu.yield
      }) : () -> ()
    } else {
    }
    %dma_wait3A = tpu.memref_slice %arg2[%mul3A_0] : memref<262144xi32, #tpu.memory_space<hbm>> -> memref<16384xi32, #tpu.memory_space<hbm>>
    %dma_wait3A_4 = tpu.memref_slice %arg2[%mul3A_0] : memref<262144xi32, #tpu.memory_space<hbm>> -> memref<16384xi32, #tpu.memory_space<hbm>>
    tpu.wait_dma2 semaphore(%arg11 : memref<!tpu.dma_semaphore, #tpu.memory_space<semaphore_mem>>) src(%dma_wait3A_4 : memref<16384xi32, #tpu.memory_space<hbm>>) dst(%arg5 : memref<16384xi32, #tpu.memory_space<vmem>>)
    %iota3A = tpu.iota {dimensions = array<i32: 0>} : vector<16xi32>
    %add3A = arith.constant 0 : i32
    %add3A_5 = vector.broadcast %add3A : i32 to vector<16xi32>
    %add3A_6 = arith.addi %iota3A, %add3A_5 : vector<16xi32>
    %add3A_7 = arith.constant 16 : i32
    %add3A_8 = vector.broadcast %add3A_7 : i32 to vector<16xi32>
    %add3A_9 = arith.addi %iota3A, %add3A_8 : vector<16xi32>
    %add3A_10 = arith.constant 32 : i32
    %add3A_11 = vector.broadcast %add3A_10 : i32 to vector<16xi32>
    %add3A_12 = arith.addi %iota3A, %add3A_11 : vector<16xi32>
    %add3A_13 = arith.constant 48 : i32
    %add3A_14 = vector.broadcast %add3A_13 : i32 to vector<16xi32>
    %add3A_15 = arith.addi %iota3A, %add3A_14 : vector<16xi32>
    %broadcast_in_dim3A = arith.constant 0 : i32
    %broadcast_in_dim3A_16 = vector.broadcast %broadcast_in_dim3A : i32 to vector<16xi32>
    %scan3A = arith.constant 8192 : i32
    %scan3A_17 = arith.constant 0 : i32
    %scan3A_18 = arith.constant 15 : i32
    %scan3A_19 = arith.addi %scan3A_17, %scan3A_18 : i32
    %scan3A_20 = arith.constant 1 : i32
    %scan3A_21:5 = scf.for %scan3A_41 = %scan3A_17 to %scan3A_19 step %scan3A_20 iter_args(%scan3A_42 = %scan3A, %scan3A_43 = %broadcast_in_dim3A_16, %scan3A_44 = %broadcast_in_dim3A_16, %scan3A_45 = %broadcast_in_dim3A_16, %scan3A_46 = %broadcast_in_dim3A_16) -> (i32, vector<16xi32>, vector<16xi32>, vector<16xi32>, vector<16xi32>)  : i32 {
      %sub3A = arith.constant 1 : i32
      %sub3A_47 = arith.subi %scan3A_42, %sub3A : i32
      %add3A_48 = vector.broadcast %sub3A_47 : i32 to vector<16xi32>
      %add3A_49 = arith.addi %scan3A_43, %add3A_48 : vector<16xi32>
      %gather3A = tpu.vector_load_idx %arg5[%add3A_49] : memref<16384xi32, #tpu.memory_space<vmem>>[vector<16xi32>], vector<16xi32>,
      %le3A = arith.cmpi sle, %gather3A, %add3A_6 : vector<16xi32>
      %add3A_50 = vector.broadcast %scan3A_42 : i32 to vector<16xi32>
      %add3A_51 = arith.addi %scan3A_43, %add3A_50 : vector<16xi32>
      %select_n3A = arith.select %le3A, %add3A_51, %scan3A_43 : vector<16xi1>, vector<16xi32>
      %add3A_52 = vector.broadcast %sub3A_47 : i32 to vector<16xi32>
      %add3A_53 = arith.addi %scan3A_44, %add3A_52 : vector<16xi32>
      %gather3A_54 = tpu.vector_load_idx %arg5[%add3A_53] : memref<16384xi32, #tpu.memory_space<vmem>>[vector<16xi32>], vector<16xi32>,
      %le3A_55 = arith.cmpi sle, %gather3A_54, %add3A_9 : vector<16xi32>
      %add3A_56 = vector.broadcast %scan3A_42 : i32 to vector<16xi32>
      %add3A_57 = arith.addi %scan3A_44, %add3A_56 : vector<16xi32>
      %select_n3A_58 = arith.select %le3A_55, %add3A_57, %scan3A_44 : vector<16xi1>, vector<16xi32>
      %add3A_59 = vector.broadcast %sub3A_47 : i32 to vector<16xi32>
      %add3A_60 = arith.addi %scan3A_45, %add3A_59 : vector<16xi32>
      %gather3A_61 = tpu.vector_load_idx %arg5[%add3A_60] : memref<16384xi32, #tpu.memory_space<vmem>>[vector<16xi32>], vector<16xi32>,
      %le3A_62 = arith.cmpi sle, %gather3A_61, %add3A_12 : vector<16xi32>
      %add3A_63 = vector.broadcast %scan3A_42 : i32 to vector<16xi32>
      %add3A_64 = arith.addi %scan3A_45, %add3A_63 : vector<16xi32>
      %select_n3A_65 = arith.select %le3A_62, %add3A_64, %scan3A_45 : vector<16xi1>, vector<16xi32>
      %add3A_66 = vector.broadcast %sub3A_47 : i32 to vector<16xi32>
      %add3A_67 = arith.addi %scan3A_46, %add3A_66 : vector<16xi32>
      %gather3A_68 = tpu.vector_load_idx %arg5[%add3A_67] : memref<16384xi32, #tpu.memory_space<vmem>>[vector<16xi32>], vector<16xi32>,
      %le3A_69 = arith.cmpi sle, %gather3A_68, %add3A_15 : vector<16xi32>
      %add3A_70 = vector.broadcast %scan3A_42 : i32 to vector<16xi32>
      %add3A_71 = arith.addi %scan3A_46, %add3A_70 : vector<16xi32>
      %select_n3A_72 = arith.select %le3A_69, %add3A_71, %scan3A_46 : vector<16xi1>, vector<16xi32>
      %jit3A = arith.constant 2 : i32
      %div3A = arith.divsi %scan3A_42, %jit3A : i32
      %sign3A = arith.constant 0 : i32
      %sign3A_73 = arith.cmpi sgt, %scan3A_42, %sign3A : i32
      %sign3A_74 = arith.extui %sign3A_73 : i1 to i32
      %sign3A_75 = arith.constant 0 : i32
      %sign3A_76 = arith.cmpi slt, %scan3A_42, %sign3A_75 : i32
      %sign3A_77 = arith.extui %sign3A_76 : i1 to i32
      %sign3A_78 = arith.subi %sign3A_74, %sign3A_77 : i32
      %sign3A_79 = arith.constant 0 : i32
      %sign3A_80 = arith.cmpi sgt, %jit3A, %sign3A_79 : i32
      %sign3A_81 = arith.extui %sign3A_80 : i1 to i32
      %sign3A_82 = arith.constant 0 : i32
      %sign3A_83 = arith.cmpi slt, %jit3A, %sign3A_82 : i32
      %sign3A_84 = arith.extui %sign3A_83 : i1 to i32
      %sign3A_85 = arith.subi %sign3A_81, %sign3A_84 : i32
      %ne3A = arith.cmpi ne, %sign3A_78, %sign3A_85 : i32
      %rem3A = arith.remsi %scan3A_42, %jit3A : i32
      %ne3A_86 = arith.constant 0 : i32
      %ne3A_87 = arith.cmpi ne, %rem3A, %ne3A_86 : i32
      %and3A = arith.andi %ne3A, %ne3A_87 : i1
      %sub3A_88 = arith.constant 1 : i32
      %sub3A_89 = arith.subi %div3A, %sub3A_88 : i32
      %select_n3A_90 = arith.select %and3A, %sub3A_89, %div3A : i32
      %max3A = arith.constant 1 : i32
      %max3A_91 = arith.maxsi %select_n3A_90, %max3A : i32
      scf.yield %max3A_91, %select_n3A, %select_n3A_58, %select_n3A_65, %select_n3A_72 : i32, vector<16xi32>, vector<16xi32>, vector<16xi32>, vector<16xi32>
    }
    %scan3A_22 = arith.constant 15 : i32
    %swap3A = arith.constant 0 : index
    %swap3A_23 = tpu.vector_load %arg6[%swap3A] {strides = array<i32>} : memref<64xi32, #tpu.memory_space<vmem>>, vector<16xi32>,
    tpu.vector_store %arg6[%swap3A], %scan3A_21#1 {strides = array<i32>} : memref<64xi32, #tpu.memory_space<vmem>>, vector<16xi32>,
    %swap3A_24 = arith.constant 16 : index
    %swap3A_25 = tpu.vector_load %arg6[%swap3A_24] {strides = array<i32>} : memref<64xi32, #tpu.memory_space<vmem>>, vector<16xi32>,
    tpu.vector_store %arg6[%swap3A_24], %scan3A_21#2 {strides = array<i32>} : memref<64xi32, #tpu.memory_space<vmem>>, vector<16xi32>,
    %swap3A_26 = arith.constant 32 : index
    %swap3A_27 = tpu.vector_load %arg6[%swap3A_26] {strides = array<i32>} : memref<64xi32, #tpu.memory_space<vmem>>, vector<16xi32>,
    tpu.vector_store %arg6[%swap3A_26], %scan3A_21#3 {strides = array<i32>} : memref<64xi32, #tpu.memory_space<vmem>>, vector<16xi32>,
    %swap3A_28 = arith.constant 48 : index
    %swap3A_29 = tpu.vector_load %arg6[%swap3A_28] {strides = array<i32>} : memref<64xi32, #tpu.memory_space<vmem>>, vector<16xi32>,
    tpu.vector_store %arg6[%swap3A_28], %scan3A_21#4 {strides = array<i32>} : memref<64xi32, #tpu.memory_space<vmem>>, vector<16xi32>,
    %mul3A_30 = arith.constant 64 : i32
    %mul3A_31 = arith.muli %arg1, %mul3A_30 : i32
    %dma_start3A_32 = tpu.memref_slice %arg7[%mul3A_31] : memref<1024xi32, #tpu.memory_space<vmem_shared>> -> memref<64xi32, #tpu.memory_space<vmem_shared>>
    %dma_start3A_33 = tpu.memref_slice %arg7[%mul3A_31] : memref<1024xi32, #tpu.memory_space<vmem_shared>> -> memref<64xi32, #tpu.memory_space<vmem_shared>>
    tpu.enqueue_dma source(%arg6 : memref<64xi32, #tpu.memory_space<vmem>>) target(%dma_start3A_33 : memref<64xi32, #tpu.memory_space<vmem_shared>>) target_semaphore(%arg12 : memref<!tpu.dma_semaphore, #tpu.memory_space<semaphore_mem>>)
    %dma_wait3A_34 = tpu.memref_slice %arg7[%mul3A_31] : memref<1024xi32, #tpu.memory_space<vmem_shared>> -> memref<64xi32, #tpu.memory_space<vmem_shared>>
    %dma_wait3A_35 = tpu.memref_slice %arg7[%mul3A_31] : memref<1024xi32, #tpu.memory_space<vmem_shared>> -> memref<64xi32, #tpu.memory_space<vmem_shared>>
    tpu.wait_dma2 semaphore(%arg12 : memref<!tpu.dma_semaphore, #tpu.memory_space<semaphore_mem>>) src(%arg6 : memref<64xi32, #tpu.memory_space<vmem>>) dst(%dma_wait3A_35 : memref<64xi32, #tpu.memory_space<vmem_shared>>)
    %barrier3A = arith.constant 0 : index
    tpu.barrier barrier_id(%barrier3A)
    %lt3A_36 = arith.constant 4 : i32
    %lt3A_37 = arith.cmpi slt, %arg1, %lt3A_36 : i32
    %convert_element_type3A_38 = arith.extui %lt3A_37 : i1 to i32
    %cond3A_39 = arith.constant 0 : i32
    %cond3A_40 = arith.cmpi ne, %convert_element_type3A_38, %cond3A_39 : i32
    scf.if %cond3A_40 {
      "tpu.region"() ({
        %run_scoped3A = tpu.sem_alloc : memref<!tpu.dma_semaphore, #tpu.memory_space<semaphore_mem>>
        tpu.enqueue_dma source(%arg7 : memref<1024xi32, #tpu.memory_space<vmem_shared>>) target(%arg8 : memref<1024xi32, #tpu.memory_space<vmem>>) target_semaphore(%run_scoped3A : memref<!tpu.dma_semaphore, #tpu.memory_space<semaphore_mem>>)
        tpu.wait_dma2 semaphore(%run_scoped3A : memref<!tpu.dma_semaphore, #tpu.memory_space<semaphore_mem>>) src(%arg7 : memref<1024xi32, #tpu.memory_space<vmem_shared>>) dst(%arg8 : memref<1024xi32, #tpu.memory_space<vmem>>)
        tpu.yield
      }) : () -> ()
      %mul3A_41 = arith.constant 16 : i32
      %mul3A_42 = arith.muli %arg1, %mul3A_41 : i32
      %add3A_43 = vector.broadcast %mul3A_42 : i32 to vector<16xi32>
      %add3A_44 = arith.addi %iota3A, %add3A_43 : vector<16xi32>
      %gather3A = tpu.vector_load_idx %arg9[%add3A_44] : memref<64xi32, #tpu.memory_space<vmem>>[vector<16xi32>], vector<16xi32>,
      %scan3A_45 = arith.constant 0 : i32
      %scan3A_46 = arith.constant 16 : i32
      %scan3A_47 = arith.addi %scan3A_45, %scan3A_46 : i32
      %scan3A_48 = arith.constant 1 : i32
      %scan3A_49 = scf.for %scan3A_55 = %scan3A_45 to %scan3A_47 step %scan3A_48 iter_args(%scan3A_56 = %gather3A) -> (vector<16xi32>)  : i32 {
        %mul3A_57 = arith.constant 64 : i32
        %mul3A_58 = arith.muli %scan3A_55, %mul3A_57 : i32
        %mul3A_59 = arith.constant 16 : i32
        %mul3A_60 = arith.muli %arg1, %mul3A_59 : i32
        %add3A_61 = arith.addi %mul3A_58, %mul3A_60 : i32
        %add3A_62 = vector.broadcast %add3A_61 : i32 to vector<16xi32>
        %add3A_63 = arith.addi %iota3A, %add3A_62 : vector<16xi32>
        %gather3A_64 = tpu.vector_load_idx %arg8[%add3A_63] : memref<1024xi32, #tpu.memory_space<vmem>>[vector<16xi32>], vector<16xi32>,
        %add3A_65 = arith.addi %scan3A_56, %gather3A_64 : vector<16xi32>
        scf.yield %add3A_65 : vector<16xi32>
      }
      %scan3A_50 = arith.constant 16 : i32
      %swap3A_51 = arith.constant 0 : index
      %swap3A_52 = tpu.vector_load %arg10[%swap3A_51] {strides = array<i32>} : memref<16xi32, #tpu.memory_space<vmem>>, vector<16xi32>,
      tpu.vector_store %arg10[%swap3A_51], %scan3A_49 {strides = array<i32>} : memref<16xi32, #tpu.memory_space<vmem>>, vector<16xi32>,
      %mul3A_53 = arith.constant 16 : i32
      %mul3A_54 = arith.muli %arg1, %mul3A_53 : i32
      "tpu.region"() ({
        %run_scoped3A = tpu.sem_alloc : memref<!tpu.dma_semaphore, #tpu.memory_space<semaphore_mem>>
        %dma_start3A_55 = tpu.memref_slice %arg4[%mul3A_54] : memref<64xi32, #tpu.memory_space<hbm>> -> memref<16xi32, #tpu.memory_space<hbm>>
        %dma_start3A_56 = tpu.memref_slice %arg4[%mul3A_54] : memref<64xi32, #tpu.memory_space<hbm>> -> memref<16xi32, #tpu.memory_space<hbm>>
        tpu.enqueue_dma source(%arg10 : memref<16xi32, #tpu.memory_space<vmem>>) target(%dma_start3A_56 : memref<16xi32, #tpu.memory_space<hbm>>) target_semaphore(%run_scoped3A : memref<!tpu.dma_semaphore, #tpu.memory_space<semaphore_mem>>)
        %dma_wait3A_57 = tpu.memref_slice %arg4[%mul3A_54] : memref<64xi32, #tpu.memory_space<hbm>> -> memref<16xi32, #tpu.memory_space<hbm>>
        %dma_wait3A_58 = tpu.memref_slice %arg4[%mul3A_54] : memref<64xi32, #tpu.memory_space<hbm>> -> memref<16xi32, #tpu.memory_space<hbm>>
        tpu.wait_dma2 semaphore(%run_scoped3A : memref<!tpu.dma_semaphore, #tpu.memory_space<semaphore_mem>>) src(%arg10 : memref<16xi32, #tpu.memory_space<vmem>>) dst(%dma_wait3A_58 : memref<16xi32, #tpu.memory_space<hbm>>)
        tpu.yield
      }) : () -> ()
    } else {
    }
    return
  }
}

</mosaic_0001>

<sc_bundles>
// kernel: _collect.3.cloned.1.call-start
scs
__scs_entry_jumppad:
0x0: {  	(pc) =	sbr.rel $0x88, $3  }
0x1: {  	(tag) =	ssettag $0x0;
	lr =	simm.s32 $0x1  }
0x2: {  	[smem:$0x3F9F] =	sst lr;
	_ =	strace $0xD0000000  }
0x3: {  	_ = 	snop  }
0x4: {  	_ = 	snop  }
0x5: {  	_ = 	snop  }
0x6: {  	_ = 	snop  }
0x7: {  	_ = 	snop  }
__scs_overlays_trampoline_lowered:
0x8: {  	[smem:$0x3FAE] =	sst s0  }
0x9: {  	[smem:$0x3FAF] =	sst s1  }
0xa: {  	[smem:$0x3FB0] =	sst s2  }
0xb: {  	[smem:$0x3FB1] =	sst s3  }
0xc: {  	[smem:$0x3FB2] =	sst s4  }
0xd: {  	[smem:$0x3FB3] =	sst s5  }
0xe: {  	[smem:$0x3FB4] =	sst s6  }
0xf: {  	[smem:$0x3FB5] =	sst s7  }
0x10: {  	[smem:$0x3FB6] =	sst s8  }
0x11: {  	[smem:$0x3FB7] =	sst s9;
	s0 =	simm.s32 @!p0 $0x0  }
0x12: {  	s1 =	sld [smem:$0x3F9D];
	s0 =	simm.s32 @p0 $0x1  }
0x13: {  	[smem:$0x3FB8] =	sst s0;
	s0 =	simm.s32 @!p1 $0x0  }
0x14: {  	s2 =	sld [smem:$0x3F9C];
	s0 =	simm.s32 @p1 $0x1  }
0x15: {  	[smem:$0x3FB9] =	sst s0;
	s0 =	simm.s32 @!p2 $0x0  }
0x16: {  	s3 =	sld [smem:$0x3FDB];
	s0 =	simm.s32 @p2 $0x1  }
0x17: {  	s4 =	simm.s32 $0x1BF5;
	[smem:$0x3FBB] =	sst s0  }
0x18: {  	s0 =	sld [smem:$0x3F9E];
	_ =	swait.ge [sflag:s4], $0x0  }
0x19: {  	s7 =	sld [smem:$0x3F9F]  }
0x1a: {  	s8 =	sadd.s32 $0xFFFFE003, lr  }
0x1b: {  	s9 =	sadd.s32 $0xFFFFFEF7, lr;
	s5 =	simm.s32 $0xFFFFFFFF;
	p2 =	slt.u32 s8, $0xFFFFF086  }
0x1c: {  	p1 =	slt.u32 s9, $0xF7A;
	s5 =	simm.s32 @!p2 $0x0  }
0x1d: {  	s5 =	simm.s32 @p1 $0x1;
	p0 =	seq.s32 s7, s2  }
0x1e: {  	s7 =	smul.u32 @!p0 $0xF7A, s2;
	p2 =	seq.s32 @!p0 s5, $0x0  }
0x1f: {  	s9 =	smul.u32 $0xF7A, s1;
	s8 =	simm.s32 @!p0 $0x1BF5;
	p2 =	por !p2, p0  }
0x20: {  	[sflag:s8] =	ssyncset.s32 @!p0 $0xFFFFF086;
	s6 =	sadd.s32 @!p0 s3, s7;
	s7 =	simm.s32 @!p0 $0x108  }
0x21: {  	s3 =	sadd.s32 s3, s9;
	s6 =	sadd.s32 @!p0 $0x88, s6;
	s7 =	simm.s32 @p2 $0x1082  }
0x22: {  	[simem:s7], [sflag:s8] =	dma.local @!p0 [hbm:s6], $0xF7A  }
0x23: {  	s9 =	sor.u32 $0xD0000000, s2;
	s6 =	simm.s32 $0x108;
	_ =	swait.ge @!p0 [sflag:s8], $0x0  }
0x24: {  	s3 =	sadd.s32 $0x88, s3;
	s6 =	simm.s32 @!p1 $0x1082;
	[sflag:s4] =	ssyncset.s32 $0xFFFFF086  }
0x25: {  	[simem:s6], [sflag:s4] =	dma.local [hbm:s3], $0xF7A  }
0x26: {  	[smem:$0x3F9F] =	sst s1;
	(tag) =	ssettag s2;
	_ =	strace s9  }
0x27: {  	s1 =	sld [smem:$0x3FAF]  }
0x28: {  	s2 =	sld [smem:$0x3FB0]  }
0x29: {  	s4 =	sld [smem:$0x3FB2]  }
0x2a: {  	p0 =	seq.s32 s5, $0x0;
	s5 =	sld [smem:$0x3FB3]  }
0x2b: {  	s6 =	sld [smem:$0x3FB4]  }
0x2c: {  	s7 =	sld [smem:$0x3FB5]  }
0x2d: {  	s3 =	simm.s32 $0x108;
	s8 =	sld [smem:$0x3FB6]  }
0x2e: {  	s3 =	simm.s32 @!p0 $0x1082;
	s9 =	sld [smem:$0x3FB7]  }
0x2f: {  	lr =	sadd.s32 s0, s3;
	s0 =	sld [smem:$0x3FAE]  }
0x30: {  	s3 =	sld [smem:$0x3FB1]  }
0x31: {  	[smem:$0x3FBA] =	sst s10  }
0x32: {  	s10 =	sld [smem:$0x3FB8];
	_ =	sdelay $0x3  }
0x33: {  	p0 =	seq.s32 s10, $0x1;
	s10 =	sld [smem:$0x3FBA];
	_ =	sdelay $0x3  }
0x34: {  	[smem:$0x3FBA] =	sst s10  }
0x35: {  	s10 =	sld [smem:$0x3FB9];
	_ =	sdelay $0x3  }
0x36: {  	p1 =	seq.s32 s10, $0x1;
	s10 =	sld [smem:$0x3FBA];
	_ =	sdelay $0x3  }
0x37: {  	[smem:$0x3FBA] =	sst s10  }
0x38: {  	s10 =	sld [smem:$0x3FBB]  }
0x39: {  	_ = 	snop;
	(pc) =	sbr.ind lr, $3  }
0x3a: {  	_ = 	snop  }
0x3b: {  	_ = 	snop  }
0x3c: {  	p2 =	seq.s32 s10, $0x1;
	s10 =	sld [smem:$0x3FBA]  }
0x3d: {  	_ =	shalt  }
0x3e: {  	_ =	shalt  }
0x3f: {  	_ =	shalt  }
0x40: {  	_ =	shalt  }
0x41: {  	_ =	shalt  }
0x42: {  	_ =	shalt  }
0x43: {  	_ =	shalt  }
0x44: {  	_ =	shalt  }
0x45: {  	_ =	shalt  }
0x46: {  	_ =	shalt  }
0x47: {  	_ =	shalt  }
0x48: {  	_ =	shalt  }
0x49: {  	_ =	shalt  }
0x4a: {  	_ =	shalt  }
0x4b: {  	_ =	shalt  }
0x4c: {  	_ =	shalt  }
0x4d: {  	_ =	shalt  }
0x4e: {  	_ =	shalt  }
0x4f: {  	_ =	shalt  }
0x50: {  	_ =	shalt  }
0x51: {  	_ =	shalt  }
0x52: {  	_ =	shalt  }
0x53: {  	_ =	shalt  }
0x54: {  	_ =	shalt  }
0x55: {  	_ =	shalt  }
0x56: {  	_ =	shalt  }
0x57: {  	_ =	shalt  }
0x58: {  	_ =	shalt  }
0x59: {  	_ =	shalt  }
0x5a: {  	_ =	shalt  }
0x5b: {  	_ =	shalt  }
0x5c: {  	_ =	shalt  }
0x5d: {  	_ =	shalt  }
0x5e: {  	_ =	shalt  }
0x5f: {  	_ =	shalt  }
0x60: {  	_ =	shalt  }
0x61: {  	_ =	shalt  }
0x62: {  	_ =	shalt  }
0x63: {  	_ =	shalt  }
0x64: {  	_ =	shalt  }
0x65: {  	_ =	shalt  }
0x66: {  	_ =	shalt  }
0x67: {  	_ =	shalt  }
0x68: {  	_ =	shalt  }
0x69: {  	_ =	shalt  }
0x6a: {  	_ =	shalt  }
0x6b: {  	_ =	shalt  }
0x6c: {  	_ =	shalt  }
0x6d: {  	_ =	shalt  }
0x6e: {  	_ =	shalt  }
0x6f: {  	_ =	shalt  }
0x70: {  	_ =	shalt  }
0x71: {  	_ =	shalt  }
0x72: {  	_ =	shalt  }
0x73: {  	_ =	shalt  }
0x74: {  	_ =	shalt  }
0x75: {  	_ =	shalt  }
0x76: {  	_ =	shalt  }
0x77: {  	_ =	shalt  }
0x78: {  	_ =	shalt  }
0x79: {  	_ =	shalt  }
0x7a: {  	_ =	shalt  }
0x7b: {  	_ =	shalt  }
0x7c: {  	_ =	shalt  }
0x7d: {  	_ =	shalt  }
0x7e: {  	_ =	shalt  }
0x7f: {  	_ =	shalt  }
0x80: {  	_ =	shalt  }
0x81: {  	_ =	shalt  }
0x82: {  	_ =	shalt  }
0x83: {  	_ =	shalt  }
0x84: {  	_ =	shalt  }
0x85: {  	_ =	shalt  }
0x86: {  	_ =	shalt  }
0x87: {  	_ =	shalt  }
.Lfunc_end0:
.L_simem_size_0:
called_computation_lowered:
.L_overlay_start_0:
0x88: {  	s0 =	sld [smem:$0x3FD9]  }
0x89: {  	s1 =	sld [smem:$0x3FFE];
	_ =	sdelay $0x3  }
0x8a: {  	s0 =	sadd.s32 s1, s0  }
0x8b: {  	[smem:$0x3FC6] =	sst s0  }
0x8c: {  	_ = 	snop  }
0x8d: {  	s0 =	sld [smem:$0x3FC9]  }
0x8e: {  	s17 =	sld [smem:$0x3FC8]  }
0x8f: {  	s2 =	sld [smem:$0x3FD0];
	(tm) =	ssettm $0x1  }
0x90: {  	s3 =	sld [smem:$0x3FFB];
	_ =	sdelay $0x3  }
0x91: {  	_ =	strace s3  }
0x92: {  	s3 =	sld [smem:$0x3FFC];
	_ =	sdelay $0x3  }
0x93: {  	_ =	strace s3  }
0x94: {  	s3 =	sld [smem:$0x3FFD];
	_ =	sdelay $0x3  }
0x95: {  	_ =	strace s3  }
0x96: {  	_ =	strace $0x8FFFFFFF  }
0x97: {  	s18 =	sld [smem:$0x3FDB];
	_ =	sdelay $0x1  }
0x98: {  	s4 =	simm.s32 $_scs_section_size  }
0x99: {  	s5 =	simm.s32 $_size__tile_overlayer_lowered;
	s6 =	simm.s32 $_tile_overlayer_lowered  }
0x9a: {  	s21 =	simm.s32 $0x1BFF;
	s20 =	sshll.u32 s6, $0x1;
	s3 =	sadd.s32 s4, s18  }
0x9b: {  	s7 =	simm.s32 $0x0;
	s19 =	sshll.u32 s5, $0x1;
	s5 =	sadd.s32 s20, s3  }
0x9c: {  	[timem:s7], [sflag:s21] =	dma.local [hbm:s5], s19  }
0x9d: {  	_ =	swait.ge [sflag:s21], s19  }
0x9e: {  	s4 =	ssub.s32 $0x0, s19;
	[sflag:s21] =	ssyncset.done $0x0  }
0x9f: {  	[sflag:s21] =	ssyncadd.s32 s4;
	_ =	sdelay $0x1  }
0xa0: {  	s22 =	simm.s32 $0x1B8B  }
0xa1: {  	_ =	swait.ge [sflag:s22], $0x1  }
0xa2: {  	[sflag:s22] =	ssyncset.done $0x0  }
0xa3: {  	s23 =	simm.s32 $0x1B8E;
	[sflag:s22] =	ssyncadd.s32 $0xFFFFFFFF  }
0xa4: {  	s24 =	simm.s32 $execute0_lowered;
	[smem:$0x3FD2] =	sst s23  }
0xa5: {  	s4 =	sshll.u32 s24, $0x1;
	_ =	strace $0x80000046;
	[dreg:$0x1] =	wrdreg $0xFFFFFFFF  }
0xa6: {  	s25 =	simm.s32 $_size_execute0_lowered;
	s3 =	sadd.s32 s3, s4;
	[dreg:$0x0] =	wrdreg $0x0  }
0xa7: {  	s4 =	sshll.u32 s25, $0x1;
	[dreg:$0x2] =	wrdreg s3  }
0xa8: {  	[dreg:$0x3] =	wrdreg s4  }
0xa9: {  	[dreg:$0x4] =	wrdreg $0xC0  }
0xaa: {  	_ =	task [dreg:s7], $0x5FFFF  }
0xab: {  	[dreg:$0x1] =	wrdreg $0xFFFFFFFF  }
0xac: {  	[dreg:$0x0] =	wrdreg $0x60  }
0xad: {  	[dreg:$0x2] =	wrdreg s0  }
0xae: {  	[dreg:$0x3] =	wrdreg s17  }
0xaf: {  	[dreg:$0x4] =	wrdreg s2  }
0xb0: {  	[dreg:$0x5] =	wrdreg $0x40800  }
0xb1: {  	[dreg:$0x6] =	wrdreg $0x9  }
0xb2: {  	_ =	task.clear_ibuf [dreg:s7], $0x7FFFF;
	_ =	strace $0x90000046  }
0xb3: {  	s26 =	simm.s32 $0x9;
	_ =	strace $0x80000048  }
0xb4: {  	_ =	swait.ge [sflag:s26], $0x1  }
0xb5: {  	[sflag:s26] =	ssyncadd.s32 $0xFFFFFFFF  }
0xb6: {  	_ =	strace $0x90000048  }
0xb7: {  	_ =	sfence  }
0xb8: {  	s28 =	sld [smem:$0x0];
	_ =	sdelay $0x1  }
0xb9: {  	s29 =	srdreg.scid  }
0xba: {  	s30 =	sshll.u32 s29, $0xD;
	s31 =	sshrl.u32 s29, $0x2  }
0xbb: {  	s1 =	sand.u32 $0x1, s29;
	s2 =	sand.u32 $0x4000, s30;
	s0 =	sadd.s32 s31, s28  }
0xbc: {  	s1 =	sor.u32 s2, s1;
	s0 =	sshll.u32 s0, $0x11  }
0xbd: {  	s0 =	sor.u32 s0, s1  }
0xbe: {  	s0 =	sadd.s32 $0x8F2B, s0  }
0xbf: {  	[sflag:s0] =	ssyncadd.remote.s32 $0x1  }
0xc0: {  	_ =	sfence.sel $0xFFFF  }
0xc1: {  	[dreg:$0x0] =	wrdreg $0xFFFFFFFF;
	(pc) =	sbr.abs _section_cstart, $3  }
0xc2: {  	[dreg:$0x1] =	wrdreg $0xFFFFFFFF  }
0xc3: {  	_ =	task.clear_ibuf [dreg:s7], $0x2FFFF;
	_ =	strace $0x9FFFFFFF  }
0xc4: {  	(tm) =	ssettm $0x7FFFFFFF  }
0xc5: {  	_ =	shalt  }
tec
execute0_lowered:
.L_overlay_start_1:
0x0: {  	(tag) =	ssettag $0x1  }
0x1: {  	s3 =	rddreg [dreg:$0x0]  }
0x2: {  	s4 =	rddreg [dreg:$0x1]  }
0x3: {  	s7 =	rddreg [dreg:$0x2]  }
0x4: {  	s2 =	rddreg [dreg:$0x3]  }
0x5: {  	s0 =	rddreg [dreg:$0x4];
	s5 =	simm.s32 $0x0;
	s1 =	stileid.u32  }
0x6: {  	[smem:$0x7FF] =	sst s5;
	s6 =	sshll.u32 s1, $0xB  }
0x7: {  	p0 =	sgt.u32 s1, $0x3;
	_ =	strace $0x80000047;
	s3 =	sadd.s32 s3, s6  }
0x8: {  	[tilespmem:s5], [sflag:$0x1] =	stream.linear.gather [hbm4b:s3+s5], $0x4000, $0x38;
	[tilespmem:$0x45C0] =	vst v63  }
0x9: {  	s6 =	simm.s32 @!p0 $0x44C0;
	s3 =	simm.s32 @!p0 $0x0  }
0xa: {  	[tilespmem:s6], [sflag:$0x3] =	stream.linear.gather @!p0 [hbm4b:s4+s3], $0x80, $0x38;
	[tilespmem:$0x45C0] =	vst v63  }
0xb: {  	s3 =	simm.s32 @!p0 $0x3  }
0xc: {  	v2 =	vimm.s32 $0x0;
	s26 =	simm.s32 $0x1FFF;
	_ =	swait.ge @!p0 [sflag:s3], $0x80  }
0xd: {  	v6 =	vadd.s32 s26, v2;
	[sflag:s3] =	ssyncset.done @!p0 $0x0  }
0xe: {  	s28 =	simm.s32 $0x1;
	[sflag:s3] =	ssyncadd.s32 @!p0 $0xFFFFFF80  }
0xf: {  	_ =	swait.ge [sflag:s28], $0x4000  }
0x10: {  	[sflag:s28] =	ssyncset.done $0x0  }
0x11: {  	[sflag:s28] =	ssyncadd.s32 $0xFFFFC000  }
0x12: {  	v4 =	vld.idx.msk [tilespmem:v6+s5+$0x0], $0xffff;
	_ =	sdelay $0x1  }
0x13: {  	v8 =	vlaneseq.u32;
	v10 =	vld.idx.msk [tilespmem:v6+s5+$0x0], $0xffff  }
0x14: {  	s29 =	simm.s32 $0x2000;
	v9 =	vimm.s32 $0x0;
	v1 =	vadd.s32 $0x21, v8;
	v11 =	vld.idx.msk [tilespmem:v6+s5+$0x0], $0xffff  }
0x15: {  	s9 =	simm.s32 $0x1000;
	v3 =	vadd.s32 $0x1, v8;
	v7 =	vmov s29;
	v5 =	vadd.s32 $0x11, v8;
	s3 =	sshll.u32 s1, $0x4;
	v12 =	vld.idx.msk [tilespmem:v6+s5+$0x0], $0xffff  }
0x16: {  	s8 =	simm.s32 $0xD;
	s30 =	sshll.u32 s1, $0x6;
	s31 =	sshll.u32 s1, $0x1;
	v0 =	vor.u32 s3, v8;
	v6 =	vimm.s32 $0x0;
	vm0 =	vlt.s32 v4, v1  }
0x17: {  	s6 =	sadd.s32 s30, s2;
	s4 =	sadd.s32 s7, s31;
	s7 =	smax.u32 s9, $0x1;
	v4 =	vadd.s32 $0x31, v8;
	v8 =	vimm.s32 $0x0;
	v13 =	vnsel vm0, $0x0, v7  }
.LBB2_1:
0x18: {  	p1 =	sne.s32 s8, $0x1;
	s8 =	sadd.s32 $0xFFFFFFFF, s8;
	s9 =	sadd.s32 $0xFFFFFFFF, s7;
	v2 =	vadd.s32 v2, v13;
	vm0 =	vlt.s32 v10, v4  }
0x19: {  	vm1 =	vlt.s32 v11, v3;
	v10 =	vadd.s32 s9, v2;
	v11 =	vnsel vm0, $0x0, v7  }
0x1a: {  	v13 =	vnsel vm1, $0x0, v7;
	vm0 =	vlt.s32 v12, v5;
	v6 =	vadd.s32 v6, v11  }
0x1b: {  	v9 =	vadd.s32 v9, v13;
	v7 =	vnsel vm0, $0x0, v7;
	v11 =	vadd.s32 s9, v6  }
0x1c: {  	v12 =	vadd.s32 s9, v9;
	v8 =	vadd.s32 v8, v7  }
0x1d: {  	v7 =	vadd.s32 s9, v8  }
0x1e: {  	v13 =	vld.idx.msk [tilespmem:v10+s5+$0x0], $0xffff;
	_ =	sdelay $0x1  }
0x1f: {  	v10 =	vld.idx.msk [tilespmem:v11+s5+$0x0], $0xffff  }
.Ltmp0:
0x20: {  	v11 =	vld.idx.msk [tilespmem:v12+s5+$0x0], $0xffff;
	(pc) =	sbr.rel @p1 .LBB2_1-.Ltmp0, $3  }
0x21: {  	v12 =	vld.idx.msk [tilespmem:v7+s5+$0x0], $0xffff;
	_ =	sdelay $0x1  }
0x22: {  	v7 =	vmov s7;
	s7 =	sshrl.u32 s7, $0x1;
	vm0 =	vlt.s32 v13, v1  }
0x23: {  	s7 =	smax.u32 s7, $0x1;
	v13 =	vnsel vm0, $0x0, v7  }
0x24: {  	vm0 =	vlt.s32 v11, v3  }
0x25: {  	v11 =	vnsel vm0, $0x0, v7;
	vm11 =	vlt.s32 v12, v5  }
0x26: {  	s8 =	sadd.s32 $0xFFFFFFFF, s7;
	v9 =	vadd.s32 v9, v11;
	v58 =	vnsel vm11, $0x0, v7  }
0x27: {  	vm12 =	vlt.s32 v10, v4;
	v59 =	vadd.s32 s8, v9;
	v8 =	vadd.s32 v8, v58  }
0x28: {  	v2 =	vadd.s32 v2, v13;
	v60 =	vnsel vm12, $0x0, v7;
	v11 =	vadd.s32 s8, v8  }
0x29: {  	v61 =	vadd.s32 s8, v2;
	v6 =	vadd.s32 v6, v60  }
0x2a: {  	v7 =	vadd.s32 s8, v6;
	_ =	sdelay $0x1  }
0x2b: {  	v10 =	vld.idx.msk [tilespmem:v59+s5+$0x0], $0xffff  }
0x2c: {  	v11 =	vld.idx.msk [tilespmem:v11+s5+$0x0], $0xffff  }
0x2d: {  	v12 =	vld.idx.msk [tilespmem:v61+s5+$0x0], $0xffff  }
0x2e: {  	v7 =	vld.idx.msk [tilespmem:v7+s5+$0x0], $0xffff;
	_ =	sdelay $0x1  }
0x2f: {  	v62 =	vmov s7;
	vm13 =	vlt.s32 v10, v3  }
0x30: {  	v3 =	vnsel vm13, $0x0, v62;
	vm14 =	vlt.s32 v11, v5  }
0x31: {  	vm1 =	vlt.s32 v12, v1;
	v1 =	vadd.s32 v9, v3;
	v3 =	vnsel vm14, $0x0, v62  }
0x32: {  	v63 =	vnsel vm1, $0x0, v62;
	vm15 =	vlt.s32 v7, v4;
	v3 =	vadd.s32 v8, v3;
	[tilespmem:$0x4000] =	vst v1  }
0x33: {  	v1 =	vadd.s32 v2, v63;
	v2 =	vnsel vm15, $0x0, v62;
	[tilespmem:$0x4010] =	vst v3  }
0x34: {  	v2 =	vadd.s32 v6, v2;
	[tilespmem:$0x4020] =	vst v1  }
0x35: {  	s30 =	simm.s32 $0x4000;
	s31 =	simm.s32 $0x2;
	[tilespmem:$0x4030] =	vst v2  }
0x36: {  	[spmem:s6] =	stream.linear.scatter [tilespmem:s30], [sflag:$0x2], $0x40, $0x38;
	[tilespmem:$0x45C0] =	vst v63  }
.Ltmp1:
0x37: {  	_ =	swait.ge [sflag:s31], $0x40;
	(pc) =	sbr.rel @p0 .LBB2_6-.Ltmp1, $3  }
0x38: {  	[sflag:s31] =	ssyncset.done $0x0  }
0x39: {  	[sflag:s31] =	ssyncadd.s32 $0xFFFFFFC0  }
0x3a: {  	[bflag:$0x0] =	sbarrier.arrive $0xFFFF;
	_ =	sdelay $0x1  }
0x3b: {  	s5 =	simm.s32 $0x40C0;
	v1 =	vlaneseq.u32;
	s29 =	sadd.s32 $0x0, s3;
	s6 =	simm.s32 $0x3  }
0x3c: {  	[tilespmem:s5], [sflag:$0x3] =	stream.linear.gather [spmem:s2], $0x400, $0x38;
	v2 =	vor.u32 s29, v1;
	[tilespmem:$0x45C0] =	vst v63  }
0x3d: {  	_ =	swait.ge [sflag:s6], $0x400  }
0x3e: {  	[sflag:s6] =	ssyncset.done $0x0  }
0x3f: {  	s30 =	simm.s32 $0x44C0;
	[sflag:s6] =	ssyncadd.s32 $0xFFFFFC00  }
0x40: {  	s31 =	sadd.s32 $0x40, s3;
	v0 =	vld.idx.msk [tilespmem:v0+s30+$0x0], $0xffff  }
0x41: {  	s2 =	simm.s32 $0x80;
	v3 =	vor.u32 s31, v1;
	v2 =	vld.idx.msk [tilespmem:v2+s5+$0x0], $0xffff  }
.LBB2_4:
0x42: {  	p0 =	sne.s32 s2, $0x3C0  }
.Ltmp2:
0x43: {  	_ = 	snop;
	(pc) =	sbr.rel @p0 .LBB2_4-.Ltmp2, $3  }
0x44: {  	_ =	sdelay $0x1  }
0x45: {  	s6 =	sadd.s32 s2, s3;
	s2 =	sadd.s32 $0x40, s2;
	v0 =	vadd.s32 v0, v2;
	v2 =	vld.idx.msk [tilespmem:v3+s5+$0x0], $0xffff  }
0x46: {  	v3 =	vor.u32 s6, v1  }
0x47: {  	_ =	sdelay $0x3  }
0x48: {  	v1 =	vld.idx.msk [tilespmem:v3+s5+$0x0], $0xffff;
	_ =	sdelay $0x3  }
0x49: {  	v0 =	vadd.s32 v0, v2  }
0x4a: {  	v0 =	vadd.s32 v0, v1  }
0x4b: {  	s2 =	simm.s32 $0x0;
	s3 =	simm.s32 $0x4540;
	s31 =	simm.s32 $0x3;
	[tilespmem:$0x4540] =	vst v0  }
0x4c: {  	[hbm4b:s4+s2] =	stream.linear.scatter [tilespmem:s3], [sflag:$0x3], $0x10, $0x38;
	[tilespmem:$0x45C0] =	vst v63  }
0x4d: {  	_ =	swait.ge [sflag:s31], $0x10  }
0x4e: {  	[sflag:s31] =	ssyncset.done $0x0  }
0x4f: {  	[sflag:s31] =	ssyncadd.s32 $0xFFFFFFF0  }
.LBB2_6:
0x50: {  	_ =	sfence.sel $0x180000  }
0x51: {  	[bflag:$0x0] =	sbarrier.arrive $0xFFFF  }
0x52: {  	p0 =	sne.s32 s1, $0x0;
	_ =	strace $0x90000047  }
0x53: {  	s0 =	sadd.s32 @!p0 $0x100000, s0;
	[bflag:$0x2] =	sbarrier.arrive $0xFFFF  }
0x54: {  	[sflag:s0] =	ssyncadd.tile.s32 @!p0 $0x1;
	_ =	shalt  }
.Lfunc_end2:
_tile_overlayer_lowered:
.L_overlay_start_2:
0x55: {  	(tag) =	ssettag $0x2  }
0x56: {  	s0 =	rddreg [dreg:$0x0];
	s2 =	stileid.u32  }
0x57: {  	s1 =	rddreg [dreg:$0x1];
	p0 =	sne.s32 s2, $0x0  }
0x58: {  	s3 =	rddreg [dreg:$0x2];
	[bflag:$0x3] =	sbarrier.arrive $0xFFFF;
	s2 =	simm.s32 @!p0 $0x1C03  }
0x59: {  	[timem:s3], [sflag:s2] =	dma.local @!p0 [hbm:s0], s1  }
0x5a: {  	s0 =	simm.s32 @!p0 $0x3  }
0x5b: {  	_ =	swait.ge @!p0 [sflag:s0], s1  }
0x5c: {  	s1 =	ssub.s32 @!p0 $0x0, s1;
	[sflag:s0] =	ssyncset.done @!p0 $0x0  }
0x5d: {  	[sflag:s0] =	ssyncadd.s32 @!p0 s1  }
0x5e: {  	[bflag:$0x3] =	sbarrier.arrive $0xFFFF  }
0x5f: {  	_ =	shalt  }

</sc_bundles>
